<compile_context>
chip_gen: v7x
topology: tpu7x:2x2x1
jax: 0.10.2.dev20260603
libtpu: 0.0.44.dev20260713+nightly
codegen_flags: <defaults>
</compile_context>

<pallas_src>
import functools

import jax
import jax.numpy as jnp
from jax import lax
from jax.experimental import pallas as pl
from jax.experimental.pallas import tpu as pltpu
from jax.experimental.pallas import tpu_sc as plsc

_TOP_K = 64


def _scores(x):
    b, c, t, pn = x.shape
    xr = jnp.transpose(x, (0, 3, 2, 1)).reshape(b, pn, -1)
    d_k = xr.shape[-1]
    sim = jnp.matmul(xr, jnp.swapaxes(xr, -2, -1)) * (d_k ** -0.5)
    attn = jax.nn.softmax(sim, axis=-1)
    return jnp.mean(attn, axis=-1)


def _topk_body(scores_ref, idx_ref):
    s = scores_ref[...]
    bsz, pn = s.shape
    col = lax.broadcasted_iota(jnp.int32, (bsz, pn), 1)
    kcol = lax.broadcasted_iota(jnp.int32, (bsz, _TOP_K), 1)
    rowoff = lax.broadcasted_iota(jnp.int32, (bsz, _TOP_K), 0) * pn

    def step(k, carry):
        s, acc = carry
        m = jnp.max(s, axis=1, keepdims=True)
        cand = jnp.where(s == m, col, pn)
        i = jnp.min(cand, axis=1, keepdims=True)
        acc = jnp.where(kcol == k, i, acc)
        s = jnp.where(col == i, -jnp.inf, s)
        return s, acc

    _, acc = lax.fori_loop(
        0, _TOP_K, step, (s, jnp.zeros((bsz, _TOP_K), jnp.int32))
    )
    del rowoff
    idx_ref[...] = acc


def _topk(scores):
    bsz, pn = scores.shape
    return pl.pallas_call(
        _topk_body,
        out_shape=jax.ShapeDtypeStruct((bsz, _TOP_K), jnp.int32),
    )(scores)


def _make_gather(b, pn, t, h, w):
    info = plsc.get_sparse_core_info()
    nw = info.num_cores * info.num_subcores
    n_idx = b * _TOP_K
    per_w = n_idx // nw
    assert _TOP_K % per_w == 0
    mesh = plsc.VectorSubcoreMesh(core_axis_name="c", subcore_axis_name="s")

    @functools.partial(
        pl.kernel,
        mesh=mesh,
        out_type=jax.ShapeDtypeStruct((n_idx, t * h * w), jnp.float32),
        scratch_types=[
            pltpu.VMEM((per_w,), jnp.int32),
            pltpu.VMEM((per_w, t * h * w), jnp.float32),
            pltpu.SemaphoreType.DMA,
        ],
    )
    def gather(table_hbm, idx_hbm, out_hbm, idx_v, rows_v, sem):
        wid = lax.axis_index("s") * info.num_cores + lax.axis_index("c")
        base = wid * per_w
        bidx = base // _TOP_K
        pltpu.sync_copy(idx_hbm.at[pl.ds(base, per_w)], idx_v)
        pltpu.async_copy(table_hbm.at[bidx].at[idx_v], rows_v, sem).wait()
        pltpu.sync_copy(rows_v, out_hbm.at[pl.ds(base, per_w)])

    return gather


def kernel(x, traj_map):
    b, pn, t, h, w = traj_map.shape
    scores = _scores(x)
    lidx = _topk(scores).reshape(b * _TOP_K)
    table = traj_map.reshape(b, pn, t * h * w)
    rows = _make_gather(b, pn, t, h, w)(table, lidx)
    return rows.reshape(b, _TOP_K, t, h, w)

# --- scband reference (transcript-rebuilt; emitter-appended) ---
"""Pipeline reference for scband-attention-point-selector-1752346656929 (READ-ONLY COPY).

The authoritative reference and input builder live on the scoring server;
editing this copy changes nothing except your own understanding.
"""

import jax, jax.numpy as jnp
import numpy as np

TOP_K = 64

def setup_inputs(seed: int = 0) -> dict:
    key = jax.random.key(seed)
    k1, k2 = jax.random.split(key)
    x = jax.random.normal(k1, (4, 8, 8, 2048), dtype=jnp.float32)
    traj_map = jax.random.normal(k2, (4, 2048, 8, 32, 32), dtype=jnp.float32)
    return {"x": x, "traj_map": traj_map}

def reference(x, traj_map):
    B, PN, T, H, W = traj_map.shape
    # einops rearrange 'b c t pn -> b pn (t c)'
    xr = jnp.transpose(x, (0, 3, 2, 1)).reshape(B, PN, -1)
    d_k = xr.shape[-1]
    sim = jnp.matmul(xr, jnp.swapaxes(xr, -2, -1)) * (d_k ** -0.5)
    attn = jax.nn.softmax(sim, axis=-1)
    scores = jnp.mean(attn, axis=-1)
    topk_scores, topk_indices = jax.lax.top_k(scores, TOP_K)
    idx = topk_indices[:, :, None, None, None]
    selected_traj_map = jnp.take_along_axis(traj_map, idx, axis=1)
    return selected_traj_map

if __name__ == "__main__":
    import jax
    _d = setup_inputs()
    print(jax.jit(kernel)(*tuple(_d.values())))

</pallas_src>

<mosaic_0001>
#map = affine_map<(d0, d1) -> (0, 0, 0)>
#map1 = affine_map<(d0, d1) -> (0)>
#map2 = affine_map<(d0, d1) -> (0, 0)>
module attributes {stable_mosaic.version = 14 : i64} {
  func.func @gather(%arg0: i32, %arg1: i32, %arg2: memref<4x2048x8192xf32, #tpu.memory_space<hbm>>, %arg3: memref<256xi32, #tpu.memory_space<hbm>>, %arg4: memref<256x8192xf32, #tpu.memory_space<hbm>>, %arg5: memref<8xi32, #tpu.memory_space<vmem>>, %arg6: memref<8x8192xf32, #tpu.memory_space<vmem>>, %arg7: memref<!tpu.dma_semaphore, #tpu.memory_space<semaphore_mem>>) attributes {dimension_semantics = [#tpu.dimension_semantics<core_parallel>, #tpu.dimension_semantics<subcore_parallel>], iteration_bounds = array<i64: 2, 16>, scalar_prefetch = 0 : i64, scratch_operands = 3 : i64, tpu.core_type = #tpu.core_type<sc_vector_subcore>, window_params = [{transform_indices = #map}, {transform_indices = #map1}, {transform_indices = #map2}]} {
    %mul3A = arith.constant 2 : i32
    %mul3A_0 = arith.muli %arg1, %mul3A : i32
    %add3A = arith.addi %mul3A_0, %arg0 : i32
    %mul3A_1 = arith.constant 8 : i32
    %mul3A_2 = arith.muli %add3A, %mul3A_1 : i32
    %jit3A = arith.constant 64 : i32
    %div3A = arith.divsi %mul3A_2, %jit3A : i32
    %sign3A = arith.constant 0 : i32
    %sign3A_3 = arith.cmpi sgt, %mul3A_2, %sign3A : i32
    %sign3A_4 = arith.extui %sign3A_3 : i1 to i32
    %sign3A_5 = arith.constant 0 : i32
    %sign3A_6 = arith.cmpi slt, %mul3A_2, %sign3A_5 : i32
    %sign3A_7 = arith.extui %sign3A_6 : i1 to i32
    %sign3A_8 = arith.subi %sign3A_4, %sign3A_7 : i32
    %sign3A_9 = arith.constant 0 : i32
    %sign3A_10 = arith.cmpi sgt, %jit3A, %sign3A_9 : i32
    %sign3A_11 = arith.extui %sign3A_10 : i1 to i32
    %sign3A_12 = arith.constant 0 : i32
    %sign3A_13 = arith.cmpi slt, %jit3A, %sign3A_12 : i32
    %sign3A_14 = arith.extui %sign3A_13 : i1 to i32
    %sign3A_15 = arith.subi %sign3A_11, %sign3A_14 : i32
    %ne3A = arith.cmpi ne, %sign3A_8, %sign3A_15 : i32
    %rem3A = arith.remsi %mul3A_2, %jit3A : i32
    %ne3A_16 = arith.constant 0 : i32
    %ne3A_17 = arith.cmpi ne, %rem3A, %ne3A_16 : i32
    %and3A = arith.andi %ne3A, %ne3A_17 : i1
    %sub3A = arith.constant 1 : i32
    %sub3A_18 = arith.subi %div3A, %sub3A : i32
    %select_n3A = arith.select %and3A, %sub3A_18, %div3A : i32
    "tpu.region"() ({
      %run_scoped3A = tpu.sem_alloc : memref<!tpu.dma_semaphore, #tpu.memory_space<semaphore_mem>>
      %dma_start3A_31 = tpu.memref_slice %arg3[%mul3A_2] : memref<256xi32, #tpu.memory_space<hbm>> -> memref<8xi32, #tpu.memory_space<hbm>>
      %dma_start3A_32 = tpu.memref_slice %arg3[%mul3A_2] : memref<256xi32, #tpu.memory_space<hbm>> -> memref<8xi32, #tpu.memory_space<hbm>>
      tpu.enqueue_dma source(%dma_start3A_32 : memref<8xi32, #tpu.memory_space<hbm>>) target(%arg5 : memref<8xi32, #tpu.memory_space<vmem>>) target_semaphore(%run_scoped3A : memref<!tpu.dma_semaphore, #tpu.memory_space<semaphore_mem>>)
      %dma_wait3A_33 = tpu.memref_slice %arg3[%mul3A_2] : memref<256xi32, #tpu.memory_space<hbm>> -> memref<8xi32, #tpu.memory_space<hbm>>
      %dma_wait3A_34 = tpu.memref_slice %arg3[%mul3A_2] : memref<256xi32, #tpu.memory_space<hbm>> -> memref<8xi32, #tpu.memory_space<hbm>>
      tpu.wait_dma2 semaphore(%run_scoped3A : memref<!tpu.dma_semaphore, #tpu.memory_space<semaphore_mem>>) src(%dma_wait3A_34 : memref<8xi32, #tpu.memory_space<hbm>>) dst(%arg5 : memref<8xi32, #tpu.memory_space<vmem>>)
      tpu.yield
    }) : () -> ()
    %dma_start3A = arith.constant 0 : i32
    %dma_start3A_19 = arith.constant 0 : i32
    %dma_start3A_20 = tpu.memref_slice %arg2[%select_n3A, %dma_start3A, %dma_start3A_19] : memref<4x2048x8192xf32, #tpu.memory_space<hbm>> -> memref<1x2048x8192xf32, #tpu.memory_space<hbm>>
    %dma_start3A_21 = tpu.memref_squeeze %dma_start3A_20 : memref<1x2048x8192xf32, #tpu.memory_space<hbm>> -> memref<2048x8192xf32, #tpu.memory_space<hbm>>
    %dma_start3A_22 = arith.constant 0 : i32
    %dma_start3A_23 = arith.constant 0 : i32
    %dma_start3A_24 = tpu.memref_slice %dma_start3A_21[%dma_start3A_22, %dma_start3A_23] : memref<2048x8192xf32, #tpu.memory_space<hbm>> -> memref<2048x8192xf32, #tpu.memory_space<hbm>>
    tpu.enqueue_indirect_dma source(%dma_start3A_24 : memref<2048x8192xf32, #tpu.memory_space<hbm>>) target(%arg6 : memref<8x8192xf32, #tpu.memory_space<vmem>>) offsets(%arg5 : memref<8xi32, #tpu.memory_space<vmem>>) semaphore(%arg7 : memref<!tpu.dma_semaphore, #tpu.memory_space<semaphore_mem>>)
    %dma_wait3A = arith.constant 0 : i32
    %dma_wait3A_25 = arith.constant 0 : i32
    %dma_wait3A_26 = tpu.memref_slice %arg2[%select_n3A, %dma_wait3A, %dma_wait3A_25] : memref<4x2048x8192xf32, #tpu.memory_space<hbm>> -> memref<1x2048x8192xf32, #tpu.memory_space<hbm>>
    %dma_wait3A_27 = tpu.memref_squeeze %dma_wait3A_26 : memref<1x2048x8192xf32, #tpu.memory_space<hbm>> -> memref<2048x8192xf32, #tpu.memory_space<hbm>>
    %dma_wait3A_28 = arith.constant 0 : i32
    %dma_wait3A_29 = arith.constant 0 : i32
    %dma_wait3A_30 = tpu.memref_slice %dma_wait3A_27[%dma_wait3A_28, %dma_wait3A_29] : memref<2048x8192xf32, #tpu.memory_space<hbm>> -> memref<2048x8192xf32, #tpu.memory_space<hbm>>
    tpu.wait_indirect_dma semaphore(%arg7 : memref<!tpu.dma_semaphore, #tpu.memory_space<semaphore_mem>>) src(%dma_wait3A_30 : memref<2048x8192xf32, #tpu.memory_space<hbm>>) dst(%arg6 : memref<8x8192xf32, #tpu.memory_space<vmem>>)
    "tpu.region"() ({
      %run_scoped3A = tpu.sem_alloc : memref<!tpu.dma_semaphore, #tpu.memory_space<semaphore_mem>>
      %dma_start3A_31 = arith.constant 0 : i32
      %dma_start3A_32 = tpu.memref_slice %arg4[%mul3A_2, %dma_start3A_31] : memref<256x8192xf32, #tpu.memory_space<hbm>> -> memref<8x8192xf32, #tpu.memory_space<hbm>>
      %dma_start3A_33 = arith.constant 0 : i32
      %dma_start3A_34 = tpu.memref_slice %arg4[%mul3A_2, %dma_start3A_33] : memref<256x8192xf32, #tpu.memory_space<hbm>> -> memref<8x8192xf32, #tpu.memory_space<hbm>>
      tpu.enqueue_dma source(%arg6 : memref<8x8192xf32, #tpu.memory_space<vmem>>) target(%dma_start3A_34 : memref<8x8192xf32, #tpu.memory_space<hbm>>) target_semaphore(%run_scoped3A : memref<!tpu.dma_semaphore, #tpu.memory_space<semaphore_mem>>)
      %dma_wait3A_35 = arith.constant 0 : i32
      %dma_wait3A_36 = tpu.memref_slice %arg4[%mul3A_2, %dma_wait3A_35] : memref<256x8192xf32, #tpu.memory_space<hbm>> -> memref<8x8192xf32, #tpu.memory_space<hbm>>
      %dma_wait3A_37 = arith.constant 0 : i32
      %dma_wait3A_38 = tpu.memref_slice %arg4[%mul3A_2, %dma_wait3A_37] : memref<256x8192xf32, #tpu.memory_space<hbm>> -> memref<8x8192xf32, #tpu.memory_space<hbm>>
      tpu.wait_dma2 semaphore(%run_scoped3A : memref<!tpu.dma_semaphore, #tpu.memory_space<semaphore_mem>>) src(%arg6 : memref<8x8192xf32, #tpu.memory_space<vmem>>) dst(%dma_wait3A_38 : memref<8x8192xf32, #tpu.memory_space<hbm>>)
      tpu.yield
    }) : () -> ()
    return
  }
}

module attributes {stable_mosaic.version = 14 : i64} {
  func.func @_topk_body(%arg0: memref<4x2048xf32, #tpu.memory_space<vmem>>, %arg1: memref<4x64xi32, #tpu.memory_space<vmem>>) attributes {dimension_semantics = [], scalar_prefetch = 0 : i64, scratch_operands = 0 : i64, tpu.core_type = #tpu.core_type<tc>} {
    %get3A = arith.constant 0 : index
    %get3A_0 = arith.constant 0 : index
    %get3A_1 = vector.load %arg0[%get3A, %get3A_0] : memref<4x2048xf32, #tpu.memory_space<vmem>>, vector<4x2048xf32>
    %iota3A = tpu.iota {dimensions = array<i32: 1>} : vector<4x2048xi32>
    %iota3A_2 = tpu.iota {dimensions = array<i32: 1>} : vector<4x64xi32>
    %broadcast_in_dim3A = arith.constant 0 : i32
    %broadcast_in_dim3A_3 = vector.broadcast %broadcast_in_dim3A : i32 to vector<4x64xi32>
    %scan3A = arith.constant 0 : i32
    %scan3A_4 = arith.constant 64 : i32
    %scan3A_5 = arith.addi %scan3A, %scan3A_4 : i32
    %scan3A_6 = arith.constant 1 : i32
    %scan3A_7:2 = scf.for %scan3A_11 = %scan3A to %scan3A_5 step %scan3A_6 iter_args(%scan3A_12 = %get3A_1, %scan3A_13 = %broadcast_in_dim3A_3) -> (vector<4x2048xf32>, vector<4x64xi32>)  : i32 {
      %reduce_max3A = arith.constant dense<0xFF800000> : vector<4xf32>
      %reduce_max3A_14 = vector.multi_reduction <maximumf>, %scan3A_12, %reduce_max3A [1] : vector<4x2048xf32> to vector<4xf32>
      %broadcast_in_dim3A_15 = vector.shape_cast %reduce_max3A_14 : vector<4xf32> to vector<4x1xf32>
      %eq3A = vector.broadcast %broadcast_in_dim3A_15 : vector<4x1xf32> to vector<4x2048xf32>
      %eq3A_16 = arith.cmpf oeq, %scan3A_12, %eq3A : vector<4x2048xf32>
      %jit3A = arith.constant 2048 : i32
      %broadcast_in_dim3A_17 = vector.broadcast %jit3A : i32 to vector<4x2048xi32>
      %select_n3A = arith.select %eq3A_16, %iota3A, %broadcast_in_dim3A_17 : vector<4x2048xi1>, vector<4x2048xi32>
      %reduce_min3A = arith.constant dense<2147483647> : vector<4xi32>
      %reduce_min3A_18 = vector.multi_reduction <minsi>, %select_n3A, %reduce_min3A [1] : vector<4x2048xi32> to vector<4xi32>
      %broadcast_in_dim3A_19 = vector.shape_cast %reduce_min3A_18 : vector<4xi32> to vector<4x1xi32>
      %eq3A_20 = vector.broadcast %scan3A_11 : i32 to vector<4x64xi32>
      %eq3A_21 = arith.cmpi eq, %iota3A_2, %eq3A_20 : vector<4x64xi32>
      %broadcast_in_dim3A_22 = vector.shape_cast %broadcast_in_dim3A_19 : vector<4x1xi32> to vector<4x1xi32>
      %broadcast_in_dim3A_23 = vector.broadcast %broadcast_in_dim3A_22 : vector<4x1xi32> to vector<4x64xi32>
      %select_n3A_24 = arith.select %eq3A_21, %broadcast_in_dim3A_23, %scan3A_13 : vector<4x64xi1>, vector<4x64xi32>
      %eq3A_25 = vector.broadcast %broadcast_in_dim3A_19 : vector<4x1xi32> to vector<4x2048xi32>
      %eq3A_26 = arith.cmpi eq, %iota3A, %eq3A_25 : vector<4x2048xi32>
      %jit3A_27 = arith.constant 0xFF800000 : f32
      %broadcast_in_dim3A_28 = vector.broadcast %jit3A_27 : f32 to vector<4x2048xf32>
      %select_n3A_29 = arith.select %eq3A_26, %broadcast_in_dim3A_28, %scan3A_12 : vector<4x2048xi1>, vector<4x2048xf32>
      scf.yield %select_n3A_29, %select_n3A_24 : vector<4x2048xf32>, vector<4x64xi32>
    }
    %scan3A_8 = arith.constant 64 : i32
    %swap3A = arith.constant 0 : index
    %swap3A_9 = arith.constant 0 : index
    %swap3A_10 = vector.load %arg1[%swap3A, %swap3A_9] : memref<4x64xi32, #tpu.memory_space<vmem>>, vector<4x64xi32>
    tpu.vector_store %arg1[%swap3A, %swap3A_9], %scan3A_7#1 {strides = array<i32>} : memref<4x64xi32, #tpu.memory_space<vmem>>, vector<4x64xi32>,
    return
  }
}

</mosaic_0001>

<sc_bundles>
// kernel: kernel.4.cloned.1.call-start
scs
__scs_entry_jumppad:
0x0: {  	(pc) =	sbr.rel $0x88, $3  }
0x1: {  	(tag) =	ssettag $0x0;
	lr =	simm.s32 $0x1  }
0x2: {  	[smem:$0x3F9F] =	sst lr;
	_ =	strace $0xD0000000  }
0x3: {  	_ = 	snop  }
0x4: {  	_ = 	snop  }
0x5: {  	_ = 	snop  }
0x6: {  	_ = 	snop  }
0x7: {  	_ = 	snop  }
__scs_overlays_trampoline_lowered:
0x8: {  	[smem:$0x3FAE] =	sst s0  }
0x9: {  	[smem:$0x3FAF] =	sst s1  }
0xa: {  	[smem:$0x3FB0] =	sst s2  }
0xb: {  	[smem:$0x3FB1] =	sst s3  }
0xc: {  	[smem:$0x3FB2] =	sst s4  }
0xd: {  	[smem:$0x3FB3] =	sst s5  }
0xe: {  	[smem:$0x3FB4] =	sst s6  }
0xf: {  	[smem:$0x3FB5] =	sst s7  }
0x10: {  	[smem:$0x3FB6] =	sst s8  }
0x11: {  	[smem:$0x3FB7] =	sst s9;
	s0 =	simm.s32 @!p0 $0x0  }
0x12: {  	s1 =	sld [smem:$0x3F9D];
	s0 =	simm.s32 @p0 $0x1  }
0x13: {  	[smem:$0x3FB8] =	sst s0;
	s0 =	simm.s32 @!p1 $0x0  }
0x14: {  	s2 =	sld [smem:$0x3F9C];
	s0 =	simm.s32 @p1 $0x1  }
0x15: {  	[smem:$0x3FB9] =	sst s0;
	s0 =	simm.s32 @!p2 $0x0  }
0x16: {  	s3 =	sld [smem:$0x3FDB];
	s0 =	simm.s32 @p2 $0x1  }
0x17: {  	s4 =	simm.s32 $0x1BF5;
	[smem:$0x3FBB] =	sst s0  }
0x18: {  	s0 =	sld [smem:$0x3F9E];
	_ =	swait.ge [sflag:s4], $0x0  }
0x19: {  	s7 =	sld [smem:$0x3F9F]  }
0x1a: {  	s8 =	sadd.s32 $0xFFFFE003, lr  }
0x1b: {  	s9 =	sadd.s32 $0xFFFFFEF7, lr;
	s5 =	simm.s32 $0xFFFFFFFF;
	p2 =	slt.u32 s8, $0xFFFFF086  }
0x1c: {  	p1 =	slt.u32 s9, $0xF7A;
	s5 =	simm.s32 @!p2 $0x0  }
0x1d: {  	s5 =	simm.s32 @p1 $0x1;
	p0 =	seq.s32 s7, s2  }
0x1e: {  	s7 =	smul.u32 @!p0 $0xF7A, s2;
	p2 =	seq.s32 @!p0 s5, $0x0  }
0x1f: {  	s9 =	smul.u32 $0xF7A, s1;
	s8 =	simm.s32 @!p0 $0x1BF5;
	p2 =	por !p2, p0  }
0x20: {  	[sflag:s8] =	ssyncset.s32 @!p0 $0xFFFFF086;
	s6 =	sadd.s32 @!p0 s3, s7;
	s7 =	simm.s32 @!p0 $0x108  }
0x21: {  	s3 =	sadd.s32 s3, s9;
	s6 =	sadd.s32 @!p0 $0x88, s6;
	s7 =	simm.s32 @p2 $0x1082  }
0x22: {  	[simem:s7], [sflag:s8] =	dma.local @!p0 [hbm:s6], $0xF7A  }
0x23: {  	s9 =	sor.u32 $0xD0000000, s2;
	s6 =	simm.s32 $0x108;
	_ =	swait.ge @!p0 [sflag:s8], $0x0  }
0x24: {  	s3 =	sadd.s32 $0x88, s3;
	s6 =	simm.s32 @!p1 $0x1082;
	[sflag:s4] =	ssyncset.s32 $0xFFFFF086  }
0x25: {  	[simem:s6], [sflag:s4] =	dma.local [hbm:s3], $0xF7A  }
0x26: {  	[smem:$0x3F9F] =	sst s1;
	(tag) =	ssettag s2;
	_ =	strace s9  }
0x27: {  	s1 =	sld [smem:$0x3FAF]  }
0x28: {  	s2 =	sld [smem:$0x3FB0]  }
0x29: {  	s4 =	sld [smem:$0x3FB2]  }
0x2a: {  	p0 =	seq.s32 s5, $0x0;
	s5 =	sld [smem:$0x3FB3]  }
0x2b: {  	s6 =	sld [smem:$0x3FB4]  }
0x2c: {  	s7 =	sld [smem:$0x3FB5]  }
0x2d: {  	s3 =	simm.s32 $0x108;
	s8 =	sld [smem:$0x3FB6]  }
0x2e: {  	s3 =	simm.s32 @!p0 $0x1082;
	s9 =	sld [smem:$0x3FB7]  }
0x2f: {  	lr =	sadd.s32 s0, s3;
	s0 =	sld [smem:$0x3FAE]  }
0x30: {  	s3 =	sld [smem:$0x3FB1]  }
0x31: {  	[smem:$0x3FBA] =	sst s10  }
0x32: {  	s10 =	sld [smem:$0x3FB8];
	_ =	sdelay $0x3  }
0x33: {  	p0 =	seq.s32 s10, $0x1;
	s10 =	sld [smem:$0x3FBA];
	_ =	sdelay $0x3  }
0x34: {  	[smem:$0x3FBA] =	sst s10  }
0x35: {  	s10 =	sld [smem:$0x3FB9];
	_ =	sdelay $0x3  }
0x36: {  	p1 =	seq.s32 s10, $0x1;
	s10 =	sld [smem:$0x3FBA];
	_ =	sdelay $0x3  }
0x37: {  	[smem:$0x3FBA] =	sst s10  }
0x38: {  	s10 =	sld [smem:$0x3FBB]  }
0x39: {  	_ = 	snop;
	(pc) =	sbr.ind lr, $3  }
0x3a: {  	_ = 	snop  }
0x3b: {  	_ = 	snop  }
0x3c: {  	p2 =	seq.s32 s10, $0x1;
	s10 =	sld [smem:$0x3FBA]  }
0x3d: {  	_ =	shalt  }
0x3e: {  	_ =	shalt  }
0x3f: {  	_ =	shalt  }
0x40: {  	_ =	shalt  }
0x41: {  	_ =	shalt  }
0x42: {  	_ =	shalt  }
0x43: {  	_ =	shalt  }
0x44: {  	_ =	shalt  }
0x45: {  	_ =	shalt  }
0x46: {  	_ =	shalt  }
0x47: {  	_ =	shalt  }
0x48: {  	_ =	shalt  }
0x49: {  	_ =	shalt  }
0x4a: {  	_ =	shalt  }
0x4b: {  	_ =	shalt  }
0x4c: {  	_ =	shalt  }
0x4d: {  	_ =	shalt  }
0x4e: {  	_ =	shalt  }
0x4f: {  	_ =	shalt  }
0x50: {  	_ =	shalt  }
0x51: {  	_ =	shalt  }
0x52: {  	_ =	shalt  }
0x53: {  	_ =	shalt  }
0x54: {  	_ =	shalt  }
0x55: {  	_ =	shalt  }
0x56: {  	_ =	shalt  }
0x57: {  	_ =	shalt  }
0x58: {  	_ =	shalt  }
0x59: {  	_ =	shalt  }
0x5a: {  	_ =	shalt  }
0x5b: {  	_ =	shalt  }
0x5c: {  	_ =	shalt  }
0x5d: {  	_ =	shalt  }
0x5e: {  	_ =	shalt  }
0x5f: {  	_ =	shalt  }
0x60: {  	_ =	shalt  }
0x61: {  	_ =	shalt  }
0x62: {  	_ =	shalt  }
0x63: {  	_ =	shalt  }
0x64: {  	_ =	shalt  }
0x65: {  	_ =	shalt  }
0x66: {  	_ =	shalt  }
0x67: {  	_ =	shalt  }
0x68: {  	_ =	shalt  }
0x69: {  	_ =	shalt  }
0x6a: {  	_ =	shalt  }
0x6b: {  	_ =	shalt  }
0x6c: {  	_ =	shalt  }
0x6d: {  	_ =	shalt  }
0x6e: {  	_ =	shalt  }
0x6f: {  	_ =	shalt  }
0x70: {  	_ =	shalt  }
0x71: {  	_ =	shalt  }
0x72: {  	_ =	shalt  }
0x73: {  	_ =	shalt  }
0x74: {  	_ =	shalt  }
0x75: {  	_ =	shalt  }
0x76: {  	_ =	shalt  }
0x77: {  	_ =	shalt  }
0x78: {  	_ =	shalt  }
0x79: {  	_ =	shalt  }
0x7a: {  	_ =	shalt  }
0x7b: {  	_ =	shalt  }
0x7c: {  	_ =	shalt  }
0x7d: {  	_ =	shalt  }
0x7e: {  	_ =	shalt  }
0x7f: {  	_ =	shalt  }
0x80: {  	_ =	shalt  }
0x81: {  	_ =	shalt  }
0x82: {  	_ =	shalt  }
0x83: {  	_ =	shalt  }
0x84: {  	_ =	shalt  }
0x85: {  	_ =	shalt  }
0x86: {  	_ =	shalt  }
0x87: {  	_ =	shalt  }
.Lfunc_end0:
.L_simem_size_0:
called_computation_lowered:
.L_overlay_start_0:
0x88: {  	s2 =	sld [smem:$0x3FD9]  }
0x89: {  	s3 =	sld [smem:$0x3FFE];
	_ =	sdelay $0x1  }
0x8a: {  	s1 =	srdreg.scid  }
0x8b: {  	s0 =	sand.u32 $0x1, s1  }
0x8c: {  	s17 =	sshll.u32 s0, $0xA;
	s2 =	sadd.s32 s3, s2  }
0x8d: {  	s2 =	sadd.s32 s2, s17  }
0x8e: {  	[smem:$0x3FC6] =	sst s2  }
0x8f: {  	_ = 	snop  }
0x90: {  	s2 =	sld [smem:$0x3FD0];
	(tm) =	ssettm $0x1  }
0x91: {  	s18 =	sld [smem:$0x3FFB];
	_ =	sdelay $0x3  }
0x92: {  	_ =	strace s18  }
0x93: {  	s3 =	sld [smem:$0x3FFC];
	_ =	sdelay $0x3  }
0x94: {  	_ =	strace s3  }
0x95: {  	s3 =	sld [smem:$0x3FFD];
	_ =	sdelay $0x3  }
0x96: {  	_ =	strace s3  }
0x97: {  	_ =	strace $0x8FFFFFFF  }
0x98: {  	s19 =	sld [smem:$0x3FDB];
	_ =	sdelay $0x1  }
0x99: {  	s4 =	simm.s32 $_scs_section_size  }
0x9a: {  	s5 =	simm.s32 $_size__tile_overlayer_lowered;
	s6 =	simm.s32 $_tile_overlayer_lowered  }
0x9b: {  	s22 =	simm.s32 $0x1BFF;
	s21 =	sshll.u32 s6, $0x1;
	s3 =	sadd.s32 s4, s19  }
0x9c: {  	s7 =	simm.s32 $0x0;
	s20 =	sshll.u32 s5, $0x1;
	s5 =	sadd.s32 s21, s3  }
0x9d: {  	[timem:s7], [sflag:s22] =	dma.local [hbm:s5], s20  }
0x9e: {  	_ =	swait.ge [sflag:s22], s20  }
0x9f: {  	s4 =	ssub.s32 $0x0, s20;
	[sflag:s22] =	ssyncset.done $0x0  }
0xa0: {  	[sflag:s22] =	ssyncadd.s32 s4;
	_ =	sdelay $0x1  }
0xa1: {  	s23 =	simm.s32 $0x1B8B  }
0xa2: {  	_ =	swait.ge [sflag:s23], $0x1  }
0xa3: {  	[sflag:s23] =	ssyncset.done $0x0  }
0xa4: {  	s25 =	simm.s32 $0x1B8E;
	s24 =	sld [smem:$0x3FFE];
	[sflag:s23] =	ssyncadd.s32 $0xFFFFFFFF  }
0xa5: {  	s26 =	simm.s32 $execute0_lowered;
	[smem:$0x3FD2] =	sst s25  }
0xa6: {  	s5 =	sshll.u32 s26, $0x1;
	_ =	strace $0x80000046;
	[dreg:$0x1] =	wrdreg $0xFFFFFFFF  }
0xa7: {  	s28 =	simm.s32 $_size_execute0_lowered;
	s3 =	sadd.s32 s3, s5;
	[dreg:$0x0] =	wrdreg $0x0  }
0xa8: {  	s5 =	sshll.u32 s28, $0x1;
	[dreg:$0x2] =	wrdreg s3  }
0xa9: {  	[dreg:$0x3] =	wrdreg s5  }
0xaa: {  	[dreg:$0x4] =	wrdreg $0xC0  }
0xab: {  	_ =	task [dreg:s7], $0x5FFFF  }
0xac: {  	[dreg:$0x1] =	wrdreg $0xFFFFFFFF  }
0xad: {  	[dreg:$0x0] =	wrdreg $0x60  }
0xae: {  	[dreg:$0x2] =	wrdreg s24  }
0xaf: {  	[dreg:$0x3] =	wrdreg s2  }
0xb0: {  	[dreg:$0x4] =	wrdreg $0x9  }
0xb1: {  	_ =	task.clear_ibuf [dreg:s7], $0x5FFFF;
	_ =	strace $0x90000046  }
0xb2: {  	s29 =	simm.s32 $0x9;
	_ =	strace $0x80000048  }
0xb3: {  	_ =	swait.ge [sflag:s29], $0x1  }
0xb4: {  	[sflag:s29] =	ssyncadd.s32 $0xFFFFFFFF  }
0xb5: {  	_ =	strace $0x90000048  }
0xb6: {  	_ =	sfence  }
0xb7: {  	s30 =	sld [smem:$0x0];
	_ =	sdelay $0x2  }
0xb8: {  	s31 =	sshll.u32 s1, $0xD;
	s1 =	sshrl.u32 s1, $0x2  }
0xb9: {  	s3 =	sand.u32 $0x4000, s31;
	s1 =	sadd.s32 s1, s30  }
0xba: {  	s0 =	sor.u32 s3, s0;
	s1 =	sshll.u32 s1, $0x11  }
0xbb: {  	s0 =	sor.u32 s1, s0  }
0xbc: {  	s0 =	sadd.s32 $0x8F2B, s0  }
0xbd: {  	[sflag:s0] =	ssyncadd.remote.s32 $0x1  }
0xbe: {  	_ =	sfence.sel $0xFFFF  }
0xbf: {  	[dreg:$0x0] =	wrdreg $0xFFFFFFFF;
	(pc) =	sbr.abs _section_cstart, $3  }
0xc0: {  	[dreg:$0x1] =	wrdreg $0xFFFFFFFF  }
0xc1: {  	_ =	task.clear_ibuf [dreg:s7], $0x2FFFF;
	_ =	strace $0x9FFFFFFF  }
0xc2: {  	(tm) =	ssettm $0x7FFFFFFF  }
0xc3: {  	_ =	shalt  }
tec
execute0_lowered:
.L_overlay_start_1:
0x0: {  	(tag) =	ssettag $0x1  }
0x1: {  	s1 =	rddreg [dreg:$0x0]  }
0x2: {  	s4 =	rddreg [dreg:$0x1]  }
0x3: {  	s14 =	rddreg [dreg:$0x2];
	s2 =	simm.s32 $0x0  }
0x4: {  	s18 =	simm.s32 $0x880;
	[smem:$0x7FF] =	sst s2  }
0x5: {  	s20 =	simm.s32 $0x1080;
	_ =	strace $0x80000047;
	[dreg:$0x6] =	wrdreg s18  }
0x6: {  	s22 =	simm.s32 $0x1880;
	[dreg:$0x8] =	wrdreg s20  }
0x7: {  	s24 =	simm.s32 $0x2080;
	[dreg:$0xa] =	wrdreg s22  }
0x8: {  	s0 =	srdreg.scid;
	s26 =	simm.s32 $0x2880;
	[dreg:$0xc] =	wrdreg s24  }
0x9: {  	s15 =	stileid.u32;
	s29 =	simm.s32 $0x3080;
	[dreg:$0xe] =	wrdreg s26  }
0xa: {  	s7 =	simm.s32 $0x4080;
	s9 =	simm.s32 $0x4880;
	[dreg:$0x10] =	wrdreg s29  }
0xb: {  	s0 =	sand.u32 $0x1, s0;
	s3 =	sshll.u32 s15, $0x4;
	[dreg:$0x14] =	wrdreg s7  }
0xc: {  	s6 =	sshll.u32 s15, $0x13;
	[dreg:$0x16] =	wrdreg s9;
	s18 =	simm.s32 $0x7880  }
0xd: {  	s5 =	sshll.u32 s0, $0x3;
	s20 =	simm.s32 $0x8880;
	[dreg:$0x1d] =	wrdreg s18  }
0xe: {  	s11 =	sand.u32 $0x600000, s6;
	s22 =	simm.s32 $0x9880;
	[dreg:$0x1f] =	wrdreg s20  }
0xf: {  	s24 =	simm.s32 $0xA880;
	s26 =	simm.s32 $0xB080;
	[smem:$0x7F8] =	sst s22  }
0x10: {  	s29 =	simm.s32 $0xC080;
	s3 =	sor.u32 s5, s3;
	[smem:$0x7FA] =	sst s24  }
0x11: {  	s5 =	sadd.s32 s11, s1;
	s11 =	simm.s32 $0x5080;
	[smem:$0x7FB] =	sst s26  }
0x12: {  	[smem:$0x7FD] =	sst s29;
	s12 =	sshrl.u32 s3, $0x3;
	s13 =	sshll.u32 s3, $0xA  }
0x13: {  	s3 =	sadd.s32 $0x200, s5;
	s5 =	simm.s32 $0x3880;
	[dreg:$0x18] =	wrdreg s11  }
0x14: {  	s1 =	sadd.s32 s1, s12;
	[dreg:$0x12] =	wrdreg s5  }
0x15: {  	s16 =	sadd.s32 s4, s13;
	[dreg:$0x3] =	wrdreg s1  }
0x16: {  	s17 =	sadd.s32 $0x100, s3;
	[dreg:$0x4] =	wrdreg s16  }
0x17: {  	s19 =	sadd.s32 $0x200, s3;
	[dreg:$0x5] =	wrdreg s17  }
0x18: {  	s21 =	sadd.s32 $0x300, s3;
	[dreg:$0x7] =	wrdreg s19  }
0x19: {  	s23 =	sadd.s32 $0x400, s3;
	[dreg:$0x9] =	wrdreg s21  }
0x1a: {  	s25 =	sadd.s32 $0x500, s3;
	[dreg:$0xb] =	wrdreg s23  }
0x1b: {  	s28 =	sadd.s32 $0x600, s3;
	[dreg:$0xd] =	wrdreg s25  }
0x1c: {  	s4 =	sadd.s32 $0x700, s3;
	[dreg:$0xf] =	wrdreg s28  }
0x1d: {  	s6 =	sadd.s32 $0x800, s3;
	[dreg:$0x11] =	wrdreg s4  }
0x1e: {  	s30 =	simm.s32 $0xC880;
	s8 =	sadd.s32 $0x900, s3;
	[dreg:$0x13] =	wrdreg s6  }
0x1f: {  	s31 =	simm.s32 $0xD080;
	s10 =	sadd.s32 $0xA00, s3;
	[dreg:$0x15] =	wrdreg s8  }
0x20: {  	s0 =	ssub.s32 $0x2, s0;
	s12 =	simm.s32 $0x5880;
	[dreg:$0x17] =	wrdreg s10  }
0x21: {  	s13 =	simm.s32 $0x6080;
	[dreg:$0x19] =	wrdreg s12;
	s25 =	sshrl.u32 s0, $0x1  }
0x22: {  	[dreg:$0x1a] =	wrdreg s13;
	s16 =	simm.s32 $0x6880;
	s0 =	ssub.s32 s0, s25  }
0x23: {  	s17 =	simm.s32 $0x7080;
	[dreg:$0x1b] =	wrdreg s16;
	s0 =	smax.u32 s0, $0x1  }
0x24: {  	s19 =	simm.s32 $0x8080;
	[dreg:$0x1c] =	wrdreg s17;
	p1 =	sne.s32 s0, $0x1  }
.Ltmp0:
0x25: {  	s21 =	simm.s32 $0x9080;
	[dreg:$0x1e] =	wrdreg s19;
	(pc) =	sbr.rel @!p1 .LBB2_1-.Ltmp0, $4  }
0x26: {  	p0 =	por $0x0, $0x0;
	s23 =	simm.s32 $0xA080;
	[smem:$0x7F7] =	sst s21  }
0x27: {  	v0 =	vlaneseq.u32;
	s18 =	simm.s32 $0x80;
	s28 =	simm.s32 $0xB880;
	[smem:$0x7F9] =	sst s23  }
0x28: {  	v2 =	vshrl.u32 v0, $0x3;
	s4 =	simm.s32 $0x2;
	[smem:$0x7FC] =	sst s28;
	s19 =	simm.s32 $0xE080  }
0x29: {  	vm0 =	vmmov $0xffff;
	v1 =	vand.u32 $0x7, v0;
	v0 =	vmul.u32 $0x8, v2;
	s17 =	simm.s32 $0x1;
	s10 =	rddreg [dreg:$0x3];
	s9 =	sadd.s32 $0xFFFFFFFF, s0  }
0x2a: {  	[tilespmem:s2], [sflag:$0x2] =	stream.linear.gather [hbm4b:s10+s2], $0x8, $0x38;
	[tilespmem:$0x10080] =	vst v63  }
0x2b: {  	_ =	swait.ge [sflag:s4], $0x8  }
0x2c: {  	[sflag:s4] =	ssyncset.done $0x0  }
0x2d: {  	s0 =	rddreg [dreg:$0x18];
	[sflag:s4] =	ssyncadd.s32 $0xFFFFFFF8  }
0x2e: {  	s1 =	rddreg [dreg:$0x16];
	v2 =	vld.msk [tilespmem:$0x0], $0xff  }
0x2f: {  	s7 =	rddreg [dreg:$0x14]  }
0x30: {  	s8 =	rddreg [dreg:$0x12]  }
0x31: {  	s24 =	rddreg [dreg:$0x10]  }
0x32: {  	s14 =	rddreg [dreg:$0xe]  }
0x33: {  	s15 =	rddreg [dreg:$0xc];
	v3 =	vshll.u32 v2, $0x6  }
0x34: {  	s16 =	rddreg [dreg:$0xa];
	v2 =	vand.u32 $0x7, v2;
	v3 =	vand.u32 $0xFFFFFE00, v3  }
0x35: {  	s17 =	rddreg [dreg:$0x8];
	v2 =	vor.u32 v2, v3  }
0x36: {  	s18 =	rddreg [dreg:$0x6];
	v2 =	vperm.xlane v2, v1  }
0x37: {  	s19 =	rddreg [dreg:$0x5]  }
0x38: {  	s20 =	rddreg [dreg:$0x7];
	v2 =	vadd.s32 v0, v2  }
0x39: {  	s25 =	rddreg [dreg:$0x9]  }
0x3a: {  	s26 =	rddreg [dreg:$0xb]  }
0x3b: {  	s21 =	rddreg [dreg:$0x13]  }
0x3c: {  	s5 =	simm.s32 $0x80;
	s22 =	rddreg [dreg:$0x15]  }
0x3d: {  	[tilespmem:s5], [sflag:$0x1] =	stream.indirect_vreg.gather [hbm4b:s3+s2], $0x80, v2, vm0, $0xb8;
	[tilespmem:$0x10080] =	vst v63  }
0x3e: {  	s10 =	sadd.s32 $0xD00, s3;
	s23 =	rddreg [dreg:$0x17]  }
0x3f: {  	[tilespmem:s18], [sflag:$0x1] =	stream.indirect_vreg.gather [hbm4b:s19+s2], $0x80, v2, vm0, $0xb8;
	[tilespmem:$0x10080] =	vst v63  }
0x40: {  	[smem:$0x7F3] =	sst s10  }
0x41: {  	[tilespmem:s17], [sflag:$0x1] =	stream.indirect_vreg.gather [hbm4b:s20+s2], $0x80, v2, vm0, $0xb8;
	[tilespmem:$0x10080] =	vst v63  }
0x42: {  	s5 =	rddreg [dreg:$0xd]  }
0x43: {  	[tilespmem:s16], [sflag:$0x1] =	stream.indirect_vreg.gather [hbm4b:s25+s2], $0x80, v2, vm0, $0xb8;
	[tilespmem:$0x10080] =	vst v63  }
0x44: {  	s19 =	rddreg [dreg:$0xf]  }
0x45: {  	[tilespmem:s15], [sflag:$0x1] =	stream.indirect_vreg.gather [hbm4b:s26+s2], $0x80, v2, vm0, $0xb8;
	[tilespmem:$0x10080] =	vst v63  }
0x46: {  	s20 =	rddreg [dreg:$0x11]  }
0x47: {  	[tilespmem:s14], [sflag:$0x1] =	stream.indirect_vreg.gather [hbm4b:s5+s2], $0x80, v2, vm0, $0xb8;
	[tilespmem:$0x10080] =	vst v63  }
0x48: {  	s25 =	sadd.s32 $0xB00, s3;
	s16 =	rddreg [dreg:$0x1d]  }
0x49: {  	[tilespmem:s24], [sflag:$0x1] =	stream.indirect_vreg.gather [hbm4b:s19+s2], $0x80, v2, vm0, $0xb8;
	[tilespmem:$0x10080] =	vst v63  }
0x4a: {  	[smem:$0x7F1] =	sst s25  }
0x4b: {  	[tilespmem:s8], [sflag:$0x1] =	stream.indirect_vreg.gather [hbm4b:s20+s2], $0x80, v2, vm0, $0xb8;
	[tilespmem:$0x10080] =	vst v63  }
0x4c: {  	s26 =	rddreg [dreg:$0x1a];
	s15 =	sadd.s32 $0xE00, s3  }
0x4d: {  	[tilespmem:s7], [sflag:$0x1] =	stream.indirect_vreg.gather [hbm4b:s21+s2], $0x80, v2, vm0, $0xb8;
	[tilespmem:$0x10080] =	vst v63  }
0x4e: {  	[smem:$0x7F4] =	sst s15  }
0x4f: {  	[tilespmem:s1], [sflag:$0x1] =	stream.indirect_vreg.gather [hbm4b:s22+s2], $0x80, v2, vm0, $0xb8;
	[tilespmem:$0x10080] =	vst v63  }
0x50: {  	s14 =	rddreg [dreg:$0x1c]  }
0x51: {  	[tilespmem:s0], [sflag:$0x1] =	stream.indirect_vreg.gather [hbm4b:s23+s2], $0x80, v2, vm0, $0xb8;
	[tilespmem:$0x10080] =	vst v63  }
0x52: {  	s24 =	rddreg [dreg:$0x19]  }
0x53: {  	[tilespmem:s24], [sflag:$0x1] =	stream.indirect_vreg.gather [hbm4b:s25+s2], $0x80, v2, vm0, $0xb8;
	[tilespmem:$0x10080] =	vst v63  }
0x54: {  	s8 =	rddreg [dreg:$0x1b];
	s7 =	sadd.s32 $0xC00, s3  }
0x55: {  	[tilespmem:s26], [sflag:$0x1] =	stream.indirect_vreg.gather [hbm4b:s7+s2], $0x80, v2, vm0, $0xb8;
	[tilespmem:$0x10080] =	vst v63  }
0x56: {  	s20 =	rddreg [dreg:$0x1e]  }
0x57: {  	[tilespmem:s8], [sflag:$0x1] =	stream.indirect_vreg.gather [hbm4b:s10+s2], $0x80, v2, vm0, $0xb8;
	[tilespmem:$0x10080] =	vst v63  }
0x58: {  	s21 =	sadd.s32 $0x1000, s3;
	[smem:$0x7F2] =	sst s7  }
0x59: {  	[tilespmem:s14], [sflag:$0x1] =	stream.indirect_vreg.gather [hbm4b:s15+s2], $0x80, v2, vm0, $0xb8;
	[tilespmem:$0x10080] =	vst v63  }
0x5a: {  	s19 =	sadd.s32 $0xF00, s3;
	[smem:$0x7F6] =	sst s21  }
0x5b: {  	[tilespmem:s16], [sflag:$0x1] =	stream.indirect_vreg.gather [hbm4b:s19+s2], $0x80, v2, vm0, $0xb8;
	[tilespmem:$0x10080] =	vst v63  }
0x5c: {  	s22 =	rddreg [dreg:$0x1f]  }
0x5d: {  	[tilespmem:s20], [sflag:$0x1] =	stream.indirect_vreg.gather [hbm4b:s21+s2], $0x80, v2, vm0, $0xb8;
	[tilespmem:$0x10080] =	vst v63  }
0x5e: {  	s23 =	sadd.s32 $0x1100, s3;
	s24 =	sld [smem:$0x7F7]  }
0x5f: {  	[tilespmem:s22], [sflag:$0x1] =	stream.indirect_vreg.gather [hbm4b:s23+s2], $0x80, v2, vm0, $0xb8;
	[tilespmem:$0x10080] =	vst v63  }
0x60: {  	s25 =	sadd.s32 $0x1200, s3;
	s26 =	sld [smem:$0x7F8]  }
0x61: {  	[tilespmem:s24], [sflag:$0x1] =	stream.indirect_vreg.gather [hbm4b:s25+s2], $0x80, v2, vm0, $0xb8;
	[tilespmem:$0x10080] =	vst v63  }
0x62: {  	s7 =	sld [smem:$0x7F9];
	s22 =	sadd.s32 $0x1300, s3  }
0x63: {  	[tilespmem:s26], [sflag:$0x1] =	stream.indirect_vreg.gather [hbm4b:s22+s2], $0x80, v2, vm0, $0xb8;
	[tilespmem:$0x10080] =	vst v63  }
0x64: {  	s8 =	sld [smem:$0x7FA];
	s21 =	smov.u32 s23;
	s23 =	sadd.s32 $0x1400, s3  }
0x65: {  	[tilespmem:s7], [sflag:$0x1] =	stream.indirect_vreg.gather [hbm4b:s23+s2], $0x80, v2, vm0, $0xb8;
	[tilespmem:$0x10080] =	vst v63  }
0x66: {  	s10 =	sld [smem:$0x7FB];
	s24 =	sadd.s32 $0x1500, s3  }
0x67: {  	[tilespmem:s8], [sflag:$0x1] =	stream.indirect_vreg.gather [hbm4b:s24+s2], $0x80, v2, vm0, $0xb8;
	[tilespmem:$0x10080] =	vst v63  }
0x68: {  	s14 =	sld [smem:$0x7FC];
	s20 =	smov.u32 s25;
	s25 =	sadd.s32 $0x1600, s3  }
0x69: {  	[tilespmem:s10], [sflag:$0x1] =	stream.indirect_vreg.gather [hbm4b:s25+s2], $0x80, v2, vm0, $0xb8;
	[tilespmem:$0x10080] =	vst v63  }
0x6a: {  	s15 =	sld [smem:$0x7FD];
	s26 =	sadd.s32 $0x1700, s3  }
0x6b: {  	[tilespmem:s14], [sflag:$0x1] =	stream.indirect_vreg.gather [hbm4b:s26+s2], $0x80, v2, vm0, $0xb8;
	[tilespmem:$0x10080] =	vst v63  }
0x6c: {  	s28 =	sadd.s32 $0x1800, s3  }
0x6d: {  	[tilespmem:s15], [sflag:$0x1] =	stream.indirect_vreg.gather [hbm4b:s28+s2], $0x80, v2, vm0, $0xb8;
	[tilespmem:$0x10080] =	vst v63  }
0x6e: {  	s29 =	sadd.s32 $0x1900, s3  }
0x6f: {  	[tilespmem:s30], [sflag:$0x1] =	stream.indirect_vreg.gather [hbm4b:s29+s2], $0x80, v2, vm0, $0xb8;
	[tilespmem:$0x10080] =	vst v63  }
0x70: {  	s30 =	sadd.s32 $0x1A00, s3  }
0x71: {  	[tilespmem:s31], [sflag:$0x1] =	stream.indirect_vreg.gather [hbm4b:s30+s2], $0x80, v2, vm0, $0xb8;
	[tilespmem:$0x10080] =	vst v63  }
0x72: {  	s11 =	simm.s32 $0xD880;
	s31 =	sadd.s32 $0x1B00, s3  }
0x73: {  	[tilespmem:s11], [sflag:$0x1] =	stream.indirect_vreg.gather [hbm4b:s31+s2], $0x80, v2, vm0, $0xb8;
	[tilespmem:$0x10080] =	vst v63  }
0x74: {  	s6 =	simm.s32 $0xE080;
	s0 =	sadd.s32 $0x1C00, s3  }
0x75: {  	[tilespmem:s6], [sflag:$0x1] =	stream.indirect_vreg.gather [hbm4b:s0+s2], $0x80, v2, vm0, $0xb8;
	[tilespmem:$0x10080] =	vst v63  }
0x76: {  	s13 =	simm.s32 $0xE880;
	s1 =	sadd.s32 $0x1D00, s3  }
0x77: {  	[tilespmem:s13], [sflag:$0x1] =	stream.indirect_vreg.gather [hbm4b:s1+s2], $0x80, v2, vm0, $0xb8;
	[tilespmem:$0x10080] =	vst v63  }
0x78: {  	s12 =	simm.s32 $0xF080;
	s17 =	simm.s32 $0x1;
	s7 =	sadd.s32 $0x1E00, s3  }
0x79: {  	[tilespmem:s12], [sflag:$0x1] =	stream.indirect_vreg.gather [hbm4b:s7+s2], $0x80, v2, vm0, $0xb8;
	[tilespmem:$0x10080] =	vst v63  }
0x7a: {  	[smem:$0x7F5] =	sst s19;
	s16 =	simm.s32 $0xF880;
	s8 =	sadd.s32 $0x1F00, s3  }
0x7b: {  	[tilespmem:s16], [sflag:$0x1] =	stream.indirect_vreg.gather [hbm4b:s8+s2], $0x80, v2, vm0, $0xb8;
	[tilespmem:$0x10080] =	vst v63  }
0x7c: {  	p1 =	sne.s32 s9, $0x1;
	_ =	swait.ge [sflag:s17], $0x10000  }
.Ltmp1:
0x7d: {  	[sflag:s17] =	ssyncset.done $0x0;
	(pc) =	sbr.rel @!p1 .LBB2_3-.Ltmp1, $4  }
0x7e: {  	s18 =	simm.s32 $0x80;
	s19 =	rddreg [dreg:$0x4];
	[sflag:s17] =	ssyncadd.s32 $0xFFFF0000  }
0x7f: {  	[hbm4b:s19+s2] =	stream.linear.scatter [tilespmem:s18], [sflag:$0x2], $0x10000, $0x38;
	[tilespmem:$0x10080] =	vst v63  }
0x80: {  	s9 =	sadd.s32 $0xFFFFFFFF, s9;
	p0 =	por $0x1, $0x1;
	_ =	swait.ge [sflag:s4], $0x10000  }
0x81: {  	s19 =	smov.u32 s3;
	s10 =	rddreg [dreg:$0x3];
	[sflag:s4] =	ssyncset.done $0x0  }
.LBB2_4:
0x82: {  	[sflag:s4] =	ssyncadd.s32 $0xFFFF0000  }
0x83: {  	[tilespmem:s2], [sflag:$0x2] =	stream.linear.gather [hbm4b:s10+s2], $0x8, $0x38;
	[tilespmem:$0x10080] =	vst v63  }
0x84: {  	_ =	swait.ge [sflag:s4], $0x8  }
0x85: {  	[sflag:s4] =	ssyncset.done $0x0  }
0x86: {  	[sflag:s4] =	ssyncadd.s32 $0xFFFFFFF8  }
0x87: {  	v2 =	vld.msk [tilespmem:$0x0], $0xff;
	_ =	sdelay $0x3  }
0x88: {  	s10 =	rddreg [dreg:$0x18]  }
0x89: {  	s11 =	rddreg [dreg:$0x16];
	v3 =	vshll.u32 v2, $0x6  }
0x8a: {  	s12 =	rddreg [dreg:$0x14];
	v2 =	vand.u32 $0x7, v2;
	v3 =	vand.u32 $0xFFFFFE00, v3  }
0x8b: {  	s13 =	rddreg [dreg:$0x12];
	v2 =	vor.u32 v2, v3  }
0x8c: {  	s3 =	rddreg [dreg:$0x10];
	v2 =	vperm.xlane v2, v1  }
0x8d: {  	s5 =	rddreg [dreg:$0xe]  }
0x8e: {  	s6 =	rddreg [dreg:$0xc];
	v2 =	vadd.s32 v0, v2  }
0x8f: {  	s14 =	rddreg [dreg:$0xa]  }
0x90: {  	s15 =	rddreg [dreg:$0x8]  }
0x91: {  	s16 =	rddreg [dreg:$0x6]  }
0x92: {  	s17 =	rddreg [dreg:$0x5]  }
0x93: {  	[tilespmem:s18], [sflag:$0x1] =	stream.indirect_vreg.gather [hbm4b:s19+s2], $0x80, v2, vm0, $0xb8;
	[tilespmem:$0x10080] =	vst v63  }
0x94: {  	s18 =	rddreg [dreg:$0x7]  }
0x95: {  	[tilespmem:s16], [sflag:$0x1] =	stream.indirect_vreg.gather [hbm4b:s17+s2], $0x80, v2, vm0, $0xb8;
	[tilespmem:$0x10080] =	vst v63  }
0x96: {  	s16 =	rddreg [dreg:$0x9]  }
0x97: {  	[tilespmem:s15], [sflag:$0x1] =	stream.indirect_vreg.gather [hbm4b:s18+s2], $0x80, v2, vm0, $0xb8;
	[tilespmem:$0x10080] =	vst v63  }
0x98: {  	s15 =	rddreg [dreg:$0xb]  }
0x99: {  	[tilespmem:s14], [sflag:$0x1] =	stream.indirect_vreg.gather [hbm4b:s16+s2], $0x80, v2, vm0, $0xb8;
	[tilespmem:$0x10080] =	vst v63  }
0x9a: {  	s14 =	rddreg [dreg:$0xd]  }
0x9b: {  	s16 =	rddreg [dreg:$0xf]  }
0x9c: {  	[tilespmem:s6], [sflag:$0x1] =	stream.indirect_vreg.gather [hbm4b:s15+s2], $0x80, v2, vm0, $0xb8;
	[tilespmem:$0x10080] =	vst v63  }
0x9d: {  	s15 =	rddreg [dreg:$0x11]  }
0x9e: {  	[tilespmem:s5], [sflag:$0x1] =	stream.indirect_vreg.gather [hbm4b:s14+s2], $0x80, v2, vm0, $0xb8;
	[tilespmem:$0x10080] =	vst v63  }
0x9f: {  	s14 =	rddreg [dreg:$0x15]  }
0xa0: {  	[tilespmem:s3], [sflag:$0x1] =	stream.indirect_vreg.gather [hbm4b:s16+s2], $0x80, v2, vm0, $0xb8;
	[tilespmem:$0x10080] =	vst v63  }
0xa1: {  	s16 =	rddreg [dreg:$0x13]  }
0xa2: {  	[tilespmem:s13], [sflag:$0x1] =	stream.indirect_vreg.gather [hbm4b:s15+s2], $0x80, v2, vm0, $0xb8;
	[tilespmem:$0x10080] =	vst v63  }
0xa3: {  	s3 =	rddreg [dreg:$0x1a]  }
0xa4: {  	[tilespmem:s12], [sflag:$0x1] =	stream.indirect_vreg.gather [hbm4b:s16+s2], $0x80, v2, vm0, $0xb8;
	[tilespmem:$0x10080] =	vst v63  }
0xa5: {  	s15 =	rddreg [dreg:$0x17]  }
0xa6: {  	[tilespmem:s11], [sflag:$0x1] =	stream.indirect_vreg.gather [hbm4b:s14+s2], $0x80, v2, vm0, $0xb8;
	[tilespmem:$0x10080] =	vst v63  }
0xa7: {  	s14 =	sld [smem:$0x7F1]  }
0xa8: {  	[tilespmem:s10], [sflag:$0x1] =	stream.indirect_vreg.gather [hbm4b:s15+s2], $0x80, v2, vm0, $0xb8;
	[tilespmem:$0x10080] =	vst v63  }
0xa9: {  	s16 =	rddreg [dreg:$0x19]  }
0xaa: {  	[tilespmem:s16], [sflag:$0x1] =	stream.indirect_vreg.gather [hbm4b:s14+s2], $0x80, v2, vm0, $0xb8;
	[tilespmem:$0x10080] =	vst v63  }
0xab: {  	s16 =	sld [smem:$0x7F2]  }
0xac: {  	s15 =	rddreg [dreg:$0x1b]  }
0xad: {  	s14 =	sld [smem:$0x7F3]  }
0xae: {  	[tilespmem:s3], [sflag:$0x1] =	stream.indirect_vreg.gather [hbm4b:s16+s2], $0x80, v2, vm0, $0xb8;
	[tilespmem:$0x10080] =	vst v63  }
0xaf: {  	s3 =	rddreg [dreg:$0x1c]  }
0xb0: {  	s16 =	sld [smem:$0x7F4]  }
0xb1: {  	[tilespmem:s15], [sflag:$0x1] =	stream.indirect_vreg.gather [hbm4b:s14+s2], $0x80, v2, vm0, $0xb8;
	[tilespmem:$0x10080] =	vst v63  }
0xb2: {  	s15 =	rddreg [dreg:$0x1d]  }
0xb3: {  	s14 =	sld [smem:$0x7F5]  }
0xb4: {  	[tilespmem:s3], [sflag:$0x1] =	stream.indirect_vreg.gather [hbm4b:s16+s2], $0x80, v2, vm0, $0xb8;
	[tilespmem:$0x10080] =	vst v63  }
0xb5: {  	s3 =	rddreg [dreg:$0x1e]  }
0xb6: {  	s16 =	sld [smem:$0x7F6]  }
0xb7: {  	[tilespmem:s15], [sflag:$0x1] =	stream.indirect_vreg.gather [hbm4b:s14+s2], $0x80, v2, vm0, $0xb8;
	[tilespmem:$0x10080] =	vst v63  }
0xb8: {  	s15 =	rddreg [dreg:$0x1f]  }
0xb9: {  	[tilespmem:s3], [sflag:$0x1] =	stream.indirect_vreg.gather [hbm4b:s16+s2], $0x80, v2, vm0, $0xb8;
	[tilespmem:$0x10080] =	vst v63  }
0xba: {  	s14 =	sld [smem:$0x7F7]  }
0xbb: {  	[tilespmem:s15], [sflag:$0x1] =	stream.indirect_vreg.gather [hbm4b:s21+s2], $0x80, v2, vm0, $0xb8;
	[tilespmem:$0x10080] =	vst v63  }
0xbc: {  	s15 =	sld [smem:$0x7F8]  }
0xbd: {  	[tilespmem:s14], [sflag:$0x1] =	stream.indirect_vreg.gather [hbm4b:s20+s2], $0x80, v2, vm0, $0xb8;
	[tilespmem:$0x10080] =	vst v63  }
0xbe: {  	s16 =	sld [smem:$0x7F9]  }
0xbf: {  	[tilespmem:s15], [sflag:$0x1] =	stream.indirect_vreg.gather [hbm4b:s22+s2], $0x80, v2, vm0, $0xb8;
	[tilespmem:$0x10080] =	vst v63  }
0xc0: {  	s10 =	sld [smem:$0x7FA]  }
0xc1: {  	[tilespmem:s16], [sflag:$0x1] =	stream.indirect_vreg.gather [hbm4b:s23+s2], $0x80, v2, vm0, $0xb8;
	[tilespmem:$0x10080] =	vst v63  }
0xc2: {  	s14 =	sld [smem:$0x7FB]  }
0xc3: {  	[tilespmem:s10], [sflag:$0x1] =	stream.indirect_vreg.gather [hbm4b:s24+s2], $0x80, v2, vm0, $0xb8;
	[tilespmem:$0x10080] =	vst v63  }
0xc4: {  	s15 =	sld [smem:$0x7FC]  }
0xc5: {  	[tilespmem:s14], [sflag:$0x1] =	stream.indirect_vreg.gather [hbm4b:s25+s2], $0x80, v2, vm0, $0xb8;
	[tilespmem:$0x10080] =	vst v63  }
0xc6: {  	s16 =	sld [smem:$0x7FD]  }
0xc7: {  	[tilespmem:s15], [sflag:$0x1] =	stream.indirect_vreg.gather [hbm4b:s26+s2], $0x80, v2, vm0, $0xb8;
	[tilespmem:$0x10080] =	vst v63  }
0xc8: {  	_ = 	snop  }
0xc9: {  	[tilespmem:s16], [sflag:$0x1] =	stream.indirect_vreg.gather [hbm4b:s28+s2], $0x80, v2, vm0, $0xb8;
	[tilespmem:$0x10080] =	vst v63  }
0xca: {  	s10 =	simm.s32 $0xC880  }
0xcb: {  	[tilespmem:s10], [sflag:$0x1] =	stream.indirect_vreg.gather [hbm4b:s29+s2], $0x80, v2, vm0, $0xb8;
	[tilespmem:$0x10080] =	vst v63  }
0xcc: {  	s14 =	simm.s32 $0xD080  }
0xcd: {  	[tilespmem:s14], [sflag:$0x1] =	stream.indirect_vreg.gather [hbm4b:s30+s2], $0x80, v2, vm0, $0xb8;
	[tilespmem:$0x10080] =	vst v63  }
0xce: {  	s13 =	simm.s32 $0xD880  }
0xcf: {  	[tilespmem:s13], [sflag:$0x1] =	stream.indirect_vreg.gather [hbm4b:s31+s2], $0x80, v2, vm0, $0xb8;
	[tilespmem:$0x10080] =	vst v63  }
0xd0: {  	s15 =	simm.s32 $0xE080  }
0xd1: {  	[tilespmem:s15], [sflag:$0x1] =	stream.indirect_vreg.gather [hbm4b:s0+s2], $0x80, v2, vm0, $0xb8;
	[tilespmem:$0x10080] =	vst v63  }
0xd2: {  	s12 =	simm.s32 $0xE880  }
0xd3: {  	[tilespmem:s12], [sflag:$0x1] =	stream.indirect_vreg.gather [hbm4b:s1+s2], $0x80, v2, vm0, $0xb8;
	[tilespmem:$0x10080] =	vst v63  }
0xd4: {  	s6 =	simm.s32 $0xF080  }
0xd5: {  	[tilespmem:s6], [sflag:$0x1] =	stream.indirect_vreg.gather [hbm4b:s7+s2], $0x80, v2, vm0, $0xb8;
	[tilespmem:$0x10080] =	vst v63  }
0xd6: {  	s17 =	simm.s32 $0x1;
	s11 =	simm.s32 $0xF880  }
0xd7: {  	[tilespmem:s11], [sflag:$0x1] =	stream.indirect_vreg.gather [hbm4b:s8+s2], $0x80, v2, vm0, $0xb8;
	[tilespmem:$0x10080] =	vst v63  }
0xd8: {  	p1 =	sne.s32 s9, $0x1;
	_ =	swait.ge [sflag:s17], $0x10000  }
.Ltmp2:
0xd9: {  	[sflag:s17] =	ssyncset.done $0x0;
	(pc) =	sbr.rel @p1 .LBB2_4-.Ltmp2, $4  }
0xda: {  	s18 =	simm.s32 $0x80;
	s16 =	rddreg [dreg:$0x4];
	[sflag:s17] =	ssyncadd.s32 $0xFFFF0000  }
0xdb: {  	[hbm4b:s16+s2] =	stream.linear.scatter [tilespmem:s18], [sflag:$0x2], $0x10000, $0x38;
	[tilespmem:$0x10080] =	vst v63  }
0xdc: {  	_ =	swait.ge [sflag:s4], $0x10000  }
0xdd: {  	s9 =	sadd.s32 $0xFFFFFFFF, s9;
	s10 =	rddreg [dreg:$0x3];
	[sflag:s4] =	ssyncset.done $0x0  }
0xde: {  	s23 =	simm.s32 $0xD880  }
0xdf: {  	s22 =	simm.s32 $0xE880;
	s21 =	simm.s32 $0xF880;
	s20 =	simm.s32 $0xF080  }
0xe0: {  	s16 =	smov.u32 s19;
	s14 =	rddreg [dreg:$0x2];
	s15 =	stileid.u32  }
0xe1: {  	s19 =	simm.s32 $0xE080;
	s31 =	simm.s32 $0xD080;
	s30 =	simm.s32 $0xC880  }
.LBB2_6:
0xe2: {  	[sflag:s4] =	ssyncadd.s32 @p0 $0xFFFF0000  }
0xe3: {  	[tilespmem:s2], [sflag:$0x2] =	stream.linear.gather [hbm4b:s10+s2], $0x8, $0x38;
	[tilespmem:$0x10080] =	vst v63  }
0xe4: {  	_ =	swait.ge [sflag:s4], $0x8  }
0xe5: {  	[sflag:s4] =	ssyncset.done $0x0  }
0xe6: {  	[sflag:s4] =	ssyncadd.s32 $0xFFFFFFF8  }
0xe7: {  	v2 =	vld.msk [tilespmem:$0x0], $0xff;
	_ =	sdelay $0x3  }
0xe8: {  	s0 =	rddreg [dreg:$0x18]  }
0xe9: {  	s1 =	rddreg [dreg:$0x16];
	v3 =	vshll.u32 v2, $0x6  }
0xea: {  	s3 =	rddreg [dreg:$0x14];
	v2 =	vand.u32 $0x7, v2;
	v3 =	vand.u32 $0xFFFFFE00, v3  }
0xeb: {  	s5 =	rddreg [dreg:$0x12];
	v2 =	vor.u32 v2, v3  }
0xec: {  	s6 =	rddreg [dreg:$0x10];
	v1 =	vperm.xlane v2, v1  }
0xed: {  	s7 =	rddreg [dreg:$0xe]  }
0xee: {  	s8 =	rddreg [dreg:$0xc];
	v0 =	vadd.s32 v0, v1  }
0xef: {  	s9 =	rddreg [dreg:$0xa]  }
0xf0: {  	s24 =	rddreg [dreg:$0x8]  }
0xf1: {  	s11 =	rddreg [dreg:$0x6]  }
0xf2: {  	s12 =	rddreg [dreg:$0x5]  }
0xf3: {  	[tilespmem:s18], [sflag:$0x1] =	stream.indirect_vreg.gather [hbm4b:s16+s2], $0x80, v0, vm0, $0xb8;
	[tilespmem:$0x10080] =	vst v63  }
0xf4: {  	s13 =	rddreg [dreg:$0x7]  }
0xf5: {  	[tilespmem:s11], [sflag:$0x1] =	stream.indirect_vreg.gather [hbm4b:s12+s2], $0x80, v0, vm0, $0xb8;
	[tilespmem:$0x10080] =	vst v63  }
0xf6: {  	s25 =	rddreg [dreg:$0x9]  }
0xf7: {  	[tilespmem:s24], [sflag:$0x1] =	stream.indirect_vreg.gather [hbm4b:s13+s2], $0x80, v0, vm0, $0xb8;
	[tilespmem:$0x10080] =	vst v63  }
0xf8: {  	s26 =	rddreg [dreg:$0xb]  }
0xf9: {  	[tilespmem:s9], [sflag:$0x1] =	stream.indirect_vreg.gather [hbm4b:s25+s2], $0x80, v0, vm0, $0xb8;
	[tilespmem:$0x10080] =	vst v63  }
0xfa: {  	s28 =	rddreg [dreg:$0xd]  }
0xfb: {  	[tilespmem:s8], [sflag:$0x1] =	stream.indirect_vreg.gather [hbm4b:s26+s2], $0x80, v0, vm0, $0xb8;
	[tilespmem:$0x10080] =	vst v63  }
0xfc: {  	s29 =	rddreg [dreg:$0xf]  }
0xfd: {  	[tilespmem:s7], [sflag:$0x1] =	stream.indirect_vreg.gather [hbm4b:s28+s2], $0x80, v0, vm0, $0xb8;
	[tilespmem:$0x10080] =	vst v63  }
0xfe: {  	s10 =	rddreg [dreg:$0x11]  }
0xff: {  	[tilespmem:s6], [sflag:$0x1] =	stream.indirect_vreg.gather [hbm4b:s29+s2], $0x80, v0, vm0, $0xb8;
	[tilespmem:$0x10080] =	vst v63  }
0x100: {  	s11 =	rddreg [dreg:$0x13]  }
0x101: {  	[tilespmem:s5], [sflag:$0x1] =	stream.indirect_vreg.gather [hbm4b:s10+s2], $0x80, v0, vm0, $0xb8;
	[tilespmem:$0x10080] =	vst v63  }
0x102: {  	s12 =	rddreg [dreg:$0x15]  }
0x103: {  	[tilespmem:s3], [sflag:$0x1] =	stream.indirect_vreg.gather [hbm4b:s11+s2], $0x80, v0, vm0, $0xb8;
	[tilespmem:$0x10080] =	vst v63  }
0x104: {  	s13 =	rddreg [dreg:$0x17]  }
0x105: {  	[tilespmem:s1], [sflag:$0x1] =	stream.indirect_vreg.gather [hbm4b:s12+s2], $0x80, v0, vm0, $0xb8;
	[tilespmem:$0x10080] =	vst v63  }
0x106: {  	s24 =	rddreg [dreg:$0x19]  }
0x107: {  	[tilespmem:s0], [sflag:$0x1] =	stream.indirect_vreg.gather [hbm4b:s13+s2], $0x80, v0, vm0, $0xb8;
	[tilespmem:$0x10080] =	vst v63  }
0x108: {  	s25 =	sadd.s32 $0xB00, s16;
	s26 =	rddreg [dreg:$0x1a]  }
0x109: {  	[tilespmem:s24], [sflag:$0x1] =	stream.indirect_vreg.gather [hbm4b:s25+s2], $0x80, v0, vm0, $0xb8;
	[tilespmem:$0x10080] =	vst v63  }
0x10a: {  	s8 =	rddreg [dreg:$0x1d];
	s28 =	sadd.s32 $0xC00, s16  }
0x10b: {  	[tilespmem:s26], [sflag:$0x1] =	stream.indirect_vreg.gather [hbm4b:s28+s2], $0x80, v0, vm0, $0xb8;
	[tilespmem:$0x10080] =	vst v63  }
0x10c: {  	s29 =	rddreg [dreg:$0x1b];
	s5 =	sadd.s32 $0xD00, s16  }
0x10d: {  	[tilespmem:s29], [sflag:$0x1] =	stream.indirect_vreg.gather [hbm4b:s5+s2], $0x80, v0, vm0, $0xb8;
	[tilespmem:$0x10080] =	vst v63  }
0x10e: {  	s7 =	sadd.s32 $0xE00, s16;
	s6 =	rddreg [dreg:$0x1c]  }
0x10f: {  	[tilespmem:s6], [sflag:$0x1] =	stream.indirect_vreg.gather [hbm4b:s7+s2], $0x80, v0, vm0, $0xb8;
	[tilespmem:$0x10080] =	vst v63  }
0x110: {  	s9 =	sadd.s32 $0xF00, s16;
	s10 =	rddreg [dreg:$0x1e]  }
0x111: {  	[tilespmem:s8], [sflag:$0x1] =	stream.indirect_vreg.gather [hbm4b:s9+s2], $0x80, v0, vm0, $0xb8;
	[tilespmem:$0x10080] =	vst v63  }
0x112: {  	s11 =	sadd.s32 $0x1000, s16;
	s12 =	rddreg [dreg:$0x1f]  }
0x113: {  	[tilespmem:s10], [sflag:$0x1] =	stream.indirect_vreg.gather [hbm4b:s11+s2], $0x80, v0, vm0, $0xb8;
	[tilespmem:$0x10080] =	vst v63  }
0x114: {  	s13 =	sadd.s32 $0x1100, s16;
	s24 =	sld [smem:$0x7F7]  }
0x115: {  	[tilespmem:s12], [sflag:$0x1] =	stream.indirect_vreg.gather [hbm4b:s13+s2], $0x80, v0, vm0, $0xb8;
	[tilespmem:$0x10080] =	vst v63  }
0x116: {  	s25 =	sadd.s32 $0x1200, s16;
	s26 =	sld [smem:$0x7F8]  }
0x117: {  	[tilespmem:s24], [sflag:$0x1] =	stream.indirect_vreg.gather [hbm4b:s25+s2], $0x80, v0, vm0, $0xb8;
	[tilespmem:$0x10080] =	vst v63  }
0x118: {  	s28 =	sadd.s32 $0x1300, s16;
	s29 =	sld [smem:$0x7F9]  }
0x119: {  	[tilespmem:s26], [sflag:$0x1] =	stream.indirect_vreg.gather [hbm4b:s28+s2], $0x80, v0, vm0, $0xb8;
	[tilespmem:$0x10080] =	vst v63  }
0x11a: {  	s1 =	sadd.s32 $0x1400, s16;
	s5 =	sld [smem:$0x7FA]  }
0x11b: {  	[tilespmem:s29], [sflag:$0x1] =	stream.indirect_vreg.gather [hbm4b:s1+s2], $0x80, v0, vm0, $0xb8;
	[tilespmem:$0x10080] =	vst v63  }
0x11c: {  	s6 =	sadd.s32 $0x1500, s16;
	s7 =	sld [smem:$0x7FB]  }
0x11d: {  	[tilespmem:s5], [sflag:$0x1] =	stream.indirect_vreg.gather [hbm4b:s6+s2], $0x80, v0, vm0, $0xb8;
	[tilespmem:$0x10080] =	vst v63  }
0x11e: {  	s8 =	sadd.s32 $0x1600, s16;
	s9 =	sld [smem:$0x7FC]  }
0x11f: {  	[tilespmem:s7], [sflag:$0x1] =	stream.indirect_vreg.gather [hbm4b:s8+s2], $0x80, v0, vm0, $0xb8;
	[tilespmem:$0x10080] =	vst v63  }
0x120: {  	s10 =	sadd.s32 $0x1700, s16;
	s11 =	sld [smem:$0x7FD]  }
0x121: {  	[tilespmem:s9], [sflag:$0x1] =	stream.indirect_vreg.gather [hbm4b:s10+s2], $0x80, v0, vm0, $0xb8;
	[tilespmem:$0x10080] =	vst v63  }
0x122: {  	s12 =	sadd.s32 $0x1800, s16  }
0x123: {  	[tilespmem:s11], [sflag:$0x1] =	stream.indirect_vreg.gather [hbm4b:s12+s2], $0x80, v0, vm0, $0xb8;
	[tilespmem:$0x10080] =	vst v63  }
0x124: {  	s13 =	sadd.s32 $0x1900, s16  }
0x125: {  	[tilespmem:s30], [sflag:$0x1] =	stream.indirect_vreg.gather [hbm4b:s13+s2], $0x80, v0, vm0, $0xb8;
	[tilespmem:$0x10080] =	vst v63  }
0x126: {  	s24 =	sadd.s32 $0x1A00, s16  }
0x127: {  	[tilespmem:s31], [sflag:$0x1] =	stream.indirect_vreg.gather [hbm4b:s24+s2], $0x80, v0, vm0, $0xb8;
	[tilespmem:$0x10080] =	vst v63  }
0x128: {  	s25 =	sadd.s32 $0x1B00, s16  }
0x129: {  	[tilespmem:s23], [sflag:$0x1] =	stream.indirect_vreg.gather [hbm4b:s25+s2], $0x80, v0, vm0, $0xb8;
	[tilespmem:$0x10080] =	vst v63  }
0x12a: {  	s26 =	sadd.s32 $0x1C00, s16  }
0x12b: {  	[tilespmem:s19], [sflag:$0x1] =	stream.indirect_vreg.gather [hbm4b:s26+s2], $0x80, v0, vm0, $0xb8;
	[tilespmem:$0x10080] =	vst v63  }
0x12c: {  	s28 =	sadd.s32 $0x1D00, s16  }
0x12d: {  	[tilespmem:s22], [sflag:$0x1] =	stream.indirect_vreg.gather [hbm4b:s28+s2], $0x80, v0, vm0, $0xb8;
	[tilespmem:$0x10080] =	vst v63  }
0x12e: {  	s29 =	sadd.s32 $0x1E00, s16  }
0x12f: {  	[tilespmem:s20], [sflag:$0x1] =	stream.indirect_vreg.gather [hbm4b:s29+s2], $0x80, v0, vm0, $0xb8;
	[tilespmem:$0x10080] =	vst v63  }
0x130: {  	s30 =	sadd.s32 $0x1F00, s16  }
0x131: {  	[tilespmem:s21], [sflag:$0x1] =	stream.indirect_vreg.gather [hbm4b:s30+s2], $0x80, v0, vm0, $0xb8;
	[tilespmem:$0x10080] =	vst v63  }
0x132: {  	_ =	swait.ge [sflag:s17], $0x10000  }
0x133: {  	[sflag:s17] =	ssyncset.done $0x0  }
0x134: {  	s31 =	rddreg [dreg:$0x4];
	[sflag:s17] =	ssyncadd.s32 $0xFFFF0000  }
0x135: {  	[hbm4b:s31+s2] =	stream.linear.scatter [tilespmem:s18], [sflag:$0x2], $0x10000, $0x38;
	[tilespmem:$0x10080] =	vst v63  }
0x136: {  	_ =	swait.ge [sflag:s4], $0x10000  }
0x137: {  	[sflag:s4] =	ssyncset.done $0x0  }
0x138: {  	[sflag:s4] =	ssyncadd.s32 $0xFFFF0000  }
0x139: {  	_ =	sfence.sel $0x180000  }
0x13a: {  	[bflag:$0x0] =	sbarrier.arrive $0xFFFF  }
0x13b: {  	p0 =	sne.s32 s15, $0x0;
	_ =	strace $0x90000047  }
0x13c: {  	s0 =	sadd.s32 @!p0 $0x100000, s14;
	[bflag:$0x2] =	sbarrier.arrive $0xFFFF  }
0x13d: {  	[sflag:s0] =	ssyncadd.tile.s32 @!p0 $0x1;
	_ =	shalt  }
.LBB2_1:
.Ltmp3:
0x13e: {  	(pc) =	sbr.rel .LBB2_6-.Ltmp3, $3  }
0x13f: {  	_ =	sdelay $0x1  }
0x140: {  	s23 =	simm.s32 $0xD880;
	s22 =	simm.s32 $0xE880  }
0x141: {  	s21 =	simm.s32 $0xF880;
	s20 =	simm.s32 $0xF080;
	s16 =	smov.u32 s3  }
.LBB2_3:
.Ltmp4:
0x142: {  	(pc) =	sbr.rel .LBB2_6-.Ltmp4, $4  }
0x143: {  	s23 =	simm.s32 $0xD880  }
0x144: {  	s22 =	simm.s32 $0xE880;
	s21 =	simm.s32 $0xF880;
	s20 =	simm.s32 $0xF080  }
0x145: {  	s16 =	smov.u32 s19;
	s14 =	rddreg [dreg:$0x2];
	s15 =	stileid.u32  }
0x146: {  	s19 =	simm.s32 $0xE080;
	s31 =	simm.s32 $0xD080;
	s30 =	simm.s32 $0xC880  }
.Lfunc_end2:
_tile_overlayer_lowered:
.L_overlay_start_2:
0x147: {  	(tag) =	ssettag $0x2  }
0x148: {  	s0 =	rddreg [dreg:$0x0];
	s2 =	stileid.u32  }
0x149: {  	s1 =	rddreg [dreg:$0x1];
	p0 =	sne.s32 s2, $0x0  }
0x14a: {  	s3 =	rddreg [dreg:$0x2];
	[bflag:$0x3] =	sbarrier.arrive $0xFFFF;
	s2 =	simm.s32 @!p0 $0x1C02  }
0x14b: {  	[timem:s3], [sflag:s2] =	dma.local @!p0 [hbm:s0], s1  }
0x14c: {  	s0 =	simm.s32 @!p0 $0x2  }
0x14d: {  	_ =	swait.ge @!p0 [sflag:s0], s1  }
0x14e: {  	s1 =	ssub.s32 @!p0 $0x0, s1;
	[sflag:s0] =	ssyncset.done @!p0 $0x0  }
0x14f: {  	[sflag:s0] =	ssyncadd.s32 @!p0 s1  }
0x150: {  	[bflag:$0x3] =	sbarrier.arrive $0xFFFF  }
0x151: {  	_ =	shalt  }

</sc_bundles>
